<compile_context>
chip_gen: v7x
topology: tpu7x:2x2x1
jax: 0.10.2.dev20260603
libtpu: 0.0.44.dev20260713+nightly
codegen_flags: <defaults>
</compile_context>

<pallas_src>
import jax
import jax.numpy as jnp
from jax import lax
from jax.experimental import pallas as pl
from jax.experimental.pallas import tpu as pltpu
from jax.experimental.pallas import tpu_sc as plsc

HIST = 50
D = 128
B = 4096
NC, NS = 2, 16
NW = NC * NS
RW = B // NW
NVEC = D // 16


def _sc_body(obs_hbm, buf_hbm, in_v, msk_v, sem):
    c = lax.axis_index("c")
    s = lax.axis_index("s")
    wid = s * NC + c
    base = wid * RW

    lane = lax.iota(jnp.int32, 16)
    zm = (lane < 6) | ((lane >= 9) & (lane < 12))
    zero = jnp.zeros((16,), jnp.float32)

    pltpu.sync_copy(obs_hbm.at[pl.ds(base, RW)], in_v)
    pltpu.async_copy(in_v, buf_hbm.at[HIST - 1, pl.ds(base, RW)], sem)

    def fill_body(r):
        msk_v[r, pl.ds(0, 16)] = jnp.where(zm, zero, in_v[r, pl.ds(0, 16)])
        for jv in range(1, NVEC):
            msk_v[r, pl.ds(jv * 16, 16)] = in_v[r, pl.ds(jv * 16, 16)]

    pl.loop(0, RW, unroll=4)(fill_body)

    def issue_body(sl):
        pltpu.async_copy(msk_v, buf_hbm.at[sl, pl.ds(base, RW)], sem)

    pl.loop(0, HIST - 1)(issue_body)

    def drain_body(sl):
        pltpu.make_async_copy(
            msk_v, buf_hbm.at[0, pl.ds(base, RW)], sem).wait()

    pl.loop(0, HIST)(drain_body)


def _mask_body(mask_ref):
    mask_ref[...] = lax.broadcasted_iota(
        jnp.int32, (HIST, B), 0) < (HIST - 1)


def kernel(obs):
    if obs.ndim == 1:
        obs = obs[:, None]
    mesh = plsc.VectorSubcoreMesh(core_axis_name="c", subcore_axis_name="s")
    buf_t = pl.kernel(
        _sc_body,
        out_type=jax.ShapeDtypeStruct((HIST, B, D), jnp.float32),
        mesh=mesh,
        scratch_types=[
            pltpu.VMEM((RW, D), jnp.float32),
            pltpu.VMEM((RW, D), jnp.float32),
            pltpu.SemaphoreType.DMA,
        ],
        compiler_params=pltpu.CompilerParams(use_tc_tiling_on_sc=False),
    )(obs)
    mask_t = pl.pallas_call(
        _mask_body,
        out_shape=jax.ShapeDtypeStruct((HIST, B), jnp.bool_),
    )()
    return jnp.transpose(buf_t, (1, 0, 2)), jnp.transpose(mask_t, (1, 0))

# --- scband reference (transcript-rebuilt; emitter-appended) ---
"""Pipeline reference for scband-history-buffer-81853486727383 (READ-ONLY COPY).

The authoritative reference and input builder live on the scoring server;
editing this copy changes nothing except your own understanding.
"""

import jax, jax.numpy as jnp
import numpy as np

HISTORY_BUFFER_LENGTH = 50

def setup_inputs(seed: int = 0) -> dict:
    key = jax.random.key(seed)
    obs = jax.random.normal(key, (4096, 128), dtype=jnp.float32)
    return {"obs": obs}

def reference(obs):
    # Fresh HistoryBuffer: forward() -> update_buffer() hits the initialize_history
    # path because the internal buffer is empty; dones is ignored on this path.
    L = HISTORY_BUFFER_LENGTH
    if obs.ndim == 1:
        obs = obs[:, None]
    B = obs.shape[0]
    # initial_obs.unsqueeze(1).repeat(1, L, 1)
    buf = jnp.repeat(obs[:, None, :], L, axis=1)
    # history_buffer[:, :-1, 0:6] = 0.0 ; history_buffer[:, :-1, 9:12] = 0.0
    buf = buf.at[:, :-1, 0:6].set(0.0)
    buf = buf.at[:, :-1, 9:12].set(0.0)
    mask = jnp.ones((B, L), dtype=jnp.bool_)
    mask = mask.at[:, -1].set(False)
    # get(sampling_interval=1)
    return buf, mask

if __name__ == "__main__":
    import jax
    _d = setup_inputs()
    print(jax.jit(kernel)(*tuple(_d.values())))

</pallas_src>

<mosaic_0001>
#map = affine_map<(d0, d1) -> (0, 0)>
#map1 = affine_map<(d0, d1) -> (0, 0, 0)>
module attributes {stable_mosaic.version = 14 : i64} {
  func.func @_sc_body(%arg0: i32, %arg1: i32, %arg2: memref<4096x128xf32, #tpu.memory_space<hbm>>, %arg3: memref<50x4096x128xf32, #tpu.memory_space<hbm>>, %arg4: memref<128x128xf32, #tpu.memory_space<vmem>>, %arg5: memref<128x128xf32, #tpu.memory_space<vmem>>, %arg6: memref<!tpu.dma_semaphore, #tpu.memory_space<semaphore_mem>>) attributes {dimension_semantics = [#tpu.dimension_semantics<core_parallel>, #tpu.dimension_semantics<subcore_parallel>], iteration_bounds = array<i64: 2, 16>, scalar_prefetch = 0 : i64, scratch_operands = 3 : i64, tpu.core_type = #tpu.core_type<sc_vector_subcore>, window_params = [{transform_indices = #map}, {transform_indices = #map1}]} {
    %mul3A = arith.constant 2 : i32
    %mul3A_0 = arith.muli %arg1, %mul3A : i32
    %add3A = arith.addi %mul3A_0, %arg0 : i32
    %mul3A_1 = arith.constant 128 : i32
    %mul3A_2 = arith.muli %add3A, %mul3A_1 : i32
    %iota3A = tpu.iota {dimensions = array<i32: 0>} : vector<16xi32>
    %lt3A = arith.constant 6 : i32
    %lt3A_3 = vector.broadcast %lt3A : i32 to vector<16xi32>
    %lt3A_4 = arith.cmpi slt, %iota3A, %lt3A_3 : vector<16xi32>
    %ge3A = arith.constant 9 : i32
    %ge3A_5 = vector.broadcast %ge3A : i32 to vector<16xi32>
    %ge3A_6 = arith.cmpi sge, %iota3A, %ge3A_5 : vector<16xi32>
    %lt3A_7 = arith.constant 12 : i32
    %lt3A_8 = vector.broadcast %lt3A_7 : i32 to vector<16xi32>
    %lt3A_9 = arith.cmpi slt, %iota3A, %lt3A_8 : vector<16xi32>
    %and3A = arith.andi %ge3A_6, %lt3A_9 : vector<16xi1>
    %or3A = arith.ori %lt3A_4, %and3A : vector<16xi1>
    %broadcast_in_dim3A = arith.constant 0.000000e+00 : f32
    %broadcast_in_dim3A_10 = vector.broadcast %broadcast_in_dim3A : f32 to vector<16xf32>
    "tpu.region"() ({
      %run_scoped3A = tpu.sem_alloc : memref<!tpu.dma_semaphore, #tpu.memory_space<semaphore_mem>>
      %dma_start3A_31 = arith.constant 0 : i32
      %dma_start3A_32 = tpu.memref_slice %arg2[%mul3A_2, %dma_start3A_31] : memref<4096x128xf32, #tpu.memory_space<hbm>> -> memref<128x128xf32, #tpu.memory_space<hbm>>
      %dma_start3A_33 = arith.constant 0 : i32
      %dma_start3A_34 = tpu.memref_slice %arg2[%mul3A_2, %dma_start3A_33] : memref<4096x128xf32, #tpu.memory_space<hbm>> -> memref<128x128xf32, #tpu.memory_space<hbm>>
      tpu.enqueue_dma source(%dma_start3A_34 : memref<128x128xf32, #tpu.memory_space<hbm>>) target(%arg4 : memref<128x128xf32, #tpu.memory_space<vmem>>) target_semaphore(%run_scoped3A : memref<!tpu.dma_semaphore, #tpu.memory_space<semaphore_mem>>)
      %dma_wait3A = arith.constant 0 : i32
      %dma_wait3A_35 = tpu.memref_slice %arg2[%mul3A_2, %dma_wait3A] : memref<4096x128xf32, #tpu.memory_space<hbm>> -> memref<128x128xf32, #tpu.memory_space<hbm>>
      %dma_wait3A_36 = arith.constant 0 : i32
      %dma_wait3A_37 = tpu.memref_slice %arg2[%mul3A_2, %dma_wait3A_36] : memref<4096x128xf32, #tpu.memory_space<hbm>> -> memref<128x128xf32, #tpu.memory_space<hbm>>
      tpu.wait_dma2 semaphore(%run_scoped3A : memref<!tpu.dma_semaphore, #tpu.memory_space<semaphore_mem>>) src(%dma_wait3A_37 : memref<128x128xf32, #tpu.memory_space<hbm>>) dst(%arg4 : memref<128x128xf32, #tpu.memory_space<vmem>>)
      tpu.yield
    }) : () -> ()
    %dma_start3A = arith.constant 49 : i32
    %dma_start3A_11 = arith.constant 0 : i32
    %dma_start3A_12 = tpu.memref_slice %arg3[%dma_start3A, %mul3A_2, %dma_start3A_11] : memref<50x4096x128xf32, #tpu.memory_space<hbm>> -> memref<1x128x128xf32, #tpu.memory_space<hbm>>
    %dma_start3A_13 = tpu.memref_squeeze %dma_start3A_12 : memref<1x128x128xf32, #tpu.memory_space<hbm>> -> memref<128x128xf32, #tpu.memory_space<hbm>>
    %dma_start3A_14 = arith.constant 0 : i32
    %dma_start3A_15 = tpu.memref_slice %arg3[%dma_start3A, %mul3A_2, %dma_start3A_14] : memref<50x4096x128xf32, #tpu.memory_space<hbm>> -> memref<1x128x128xf32, #tpu.memory_space<hbm>>
    %dma_start3A_16 = tpu.memref_squeeze %dma_start3A_15 : memref<1x128x128xf32, #tpu.memory_space<hbm>> -> memref<128x128xf32, #tpu.memory_space<hbm>>
    tpu.enqueue_dma source(%arg4 : memref<128x128xf32, #tpu.memory_space<vmem>>) target(%dma_start3A_16 : memref<128x128xf32, #tpu.memory_space<hbm>>) target_semaphore(%arg6 : memref<!tpu.dma_semaphore, #tpu.memory_space<semaphore_mem>>)
    %scan3A = arith.constant 0 : i32
    %scan3A_17 = arith.constant 128 : i32
    %scan3A_18 = arith.addi %scan3A, %scan3A_17 : i32
    %scan3A_19 = arith.constant 4 : i32
    scf.for %scan3A_31 = %scan3A to %scan3A_18 step %scan3A_19  : i32 {
      %mul3A_32 = arith.constant 1 : i32
      %mul3A_33 = arith.muli %scan3A_31, %mul3A_32 : i32
      %add3A_34 = arith.constant 0 : i32
      %add3A_35 = arith.addi %add3A_34, %mul3A_33 : i32
      %get3A = arith.index_cast %add3A_35 : i32 to index
      %get3A_36 = arith.constant 0 : index
      %get3A_37 = tpu.vector_load %arg4[%get3A, %get3A_36] {strides = array<i32>} : memref<128x128xf32, #tpu.memory_space<vmem>>, vector<1x16xf32>,
      %get3A_38 = vector.shape_cast %get3A_37 : vector<1x16xf32> to vector<16xf32>
      %select_n3A = arith.select %or3A, %broadcast_in_dim3A_10, %get3A_38 : vector<16xi1>, vector<16xf32>
      %swap3A = arith.index_cast %add3A_35 : i32 to index
      %swap3A_39 = arith.constant 0 : index
      %swap3A_40 = tpu.vector_load %arg5[%swap3A, %swap3A_39] {strides = array<i32>} : memref<128x128xf32, #tpu.memory_space<vmem>>, vector<1x16xf32>,
      %swap3A_41 = vector.shape_cast %swap3A_40 : vector<1x16xf32> to vector<16xf32>
      %swap3A_42 = vector.shape_cast %select_n3A : vector<16xf32> to vector<1x16xf32>
      tpu.vector_store %arg5[%swap3A, %swap3A_39], %swap3A_42 {strides = array<i32>} : memref<128x128xf32, #tpu.memory_space<vmem>>, vector<1x16xf32>,
      %get3A_43 = arith.index_cast %add3A_35 : i32 to index
      %get3A_44 = arith.constant 16 : index
      %get3A_45 = tpu.vector_load %arg4[%get3A_43, %get3A_44] {strides = array<i32>} : memref<128x128xf32, #tpu.memory_space<vmem>>, vector<1x16xf32>,
      %get3A_46 = vector.shape_cast %get3A_45 : vector<1x16xf32> to vector<16xf32>
      %swap3A_47 = arith.index_cast %add3A_35 : i32 to index
      %swap3A_48 = arith.constant 16 : index
      %swap3A_49 = tpu.vector_load %arg5[%swap3A_47, %swap3A_48] {strides = array<i32>} : memref<128x128xf32, #tpu.memory_space<vmem>>, vector<1x16xf32>,
      %swap3A_50 = vector.shape_cast %swap3A_49 : vector<1x16xf32> to vector<16xf32>
      %swap3A_51 = vector.shape_cast %get3A_46 : vector<16xf32> to vector<1x16xf32>
      tpu.vector_store %arg5[%swap3A_47, %swap3A_48], %swap3A_51 {strides = array<i32>} : memref<128x128xf32, #tpu.memory_space<vmem>>, vector<1x16xf32>,
      %get3A_52 = arith.index_cast %add3A_35 : i32 to index
      %get3A_53 = arith.constant 32 : index
      %get3A_54 = tpu.vector_load %arg4[%get3A_52, %get3A_53] {strides = array<i32>} : memref<128x128xf32, #tpu.memory_space<vmem>>, vector<1x16xf32>,
      %get3A_55 = vector.shape_cast %get3A_54 : vector<1x16xf32> to vector<16xf32>
      %swap3A_56 = arith.index_cast %add3A_35 : i32 to index
      %swap3A_57 = arith.constant 32 : index
      %swap3A_58 = tpu.vector_load %arg5[%swap3A_56, %swap3A_57] {strides = array<i32>} : memref<128x128xf32, #tpu.memory_space<vmem>>, vector<1x16xf32>,
      %swap3A_59 = vector.shape_cast %swap3A_58 : vector<1x16xf32> to vector<16xf32>
      %swap3A_60 = vector.shape_cast %get3A_55 : vector<16xf32> to vector<1x16xf32>
      tpu.vector_store %arg5[%swap3A_56, %swap3A_57], %swap3A_60 {strides = array<i32>} : memref<128x128xf32, #tpu.memory_space<vmem>>, vector<1x16xf32>,
      %get3A_61 = arith.index_cast %add3A_35 : i32 to index
      %get3A_62 = arith.constant 48 : index
      %get3A_63 = tpu.vector_load %arg4[%get3A_61, %get3A_62] {strides = array<i32>} : memref<128x128xf32, #tpu.memory_space<vmem>>, vector<1x16xf32>,
      %get3A_64 = vector.shape_cast %get3A_63 : vector<1x16xf32> to vector<16xf32>
      %swap3A_65 = arith.index_cast %add3A_35 : i32 to index
      %swap3A_66 = arith.constant 48 : index
      %swap3A_67 = tpu.vector_load %arg5[%swap3A_65, %swap3A_66] {strides = array<i32>} : memref<128x128xf32, #tpu.memory_space<vmem>>, vector<1x16xf32>,
      %swap3A_68 = vector.shape_cast %swap3A_67 : vector<1x16xf32> to vector<16xf32>
      %swap3A_69 = vector.shape_cast %get3A_64 : vector<16xf32> to vector<1x16xf32>
      tpu.vector_store %arg5[%swap3A_65, %swap3A_66], %swap3A_69 {strides = array<i32>} : memref<128x128xf32, #tpu.memory_space<vmem>>, vector<1x16xf32>,
      %get3A_70 = arith.index_cast %add3A_35 : i32 to index
      %get3A_71 = arith.constant 64 : index
      %get3A_72 = tpu.vector_load %arg4[%get3A_70, %get3A_71] {strides = array<i32>} : memref<128x128xf32, #tpu.memory_space<vmem>>, vector<1x16xf32>,
      %get3A_73 = vector.shape_cast %get3A_72 : vector<1x16xf32> to vector<16xf32>
      %swap3A_74 = arith.index_cast %add3A_35 : i32 to index
      %swap3A_75 = arith.constant 64 : index
      %swap3A_76 = tpu.vector_load %arg5[%swap3A_74, %swap3A_75] {strides = array<i32>} : memref<128x128xf32, #tpu.memory_space<vmem>>, vector<1x16xf32>,
      %swap3A_77 = vector.shape_cast %swap3A_76 : vector<1x16xf32> to vector<16xf32>
      %swap3A_78 = vector.shape_cast %get3A_73 : vector<16xf32> to vector<1x16xf32>
      tpu.vector_store %arg5[%swap3A_74, %swap3A_75], %swap3A_78 {strides = array<i32>} : memref<128x128xf32, #tpu.memory_space<vmem>>, vector<1x16xf32>,
      %get3A_79 = arith.index_cast %add3A_35 : i32 to index
      %get3A_80 = arith.constant 80 : index
      %get3A_81 = tpu.vector_load %arg4[%get3A_79, %get3A_80] {strides = array<i32>} : memref<128x128xf32, #tpu.memory_space<vmem>>, vector<1x16xf32>,
      %get3A_82 = vector.shape_cast %get3A_81 : vector<1x16xf32> to vector<16xf32>
      %swap3A_83 = arith.index_cast %add3A_35 : i32 to index
      %swap3A_84 = arith.constant 80 : index
      %swap3A_85 = tpu.vector_load %arg5[%swap3A_83, %swap3A_84] {strides = array<i32>} : memref<128x128xf32, #tpu.memory_space<vmem>>, vector<1x16xf32>,
      %swap3A_86 = vector.shape_cast %swap3A_85 : vector<1x16xf32> to vector<16xf32>
      %swap3A_87 = vector.shape_cast %get3A_82 : vector<16xf32> to vector<1x16xf32>
      tpu.vector_store %arg5[%swap3A_83, %swap3A_84], %swap3A_87 {strides = array<i32>} : memref<128x128xf32, #tpu.memory_space<vmem>>, vector<1x16xf32>,
      %get3A_88 = arith.index_cast %add3A_35 : i32 to index
      %get3A_89 = arith.constant 96 : index
      %get3A_90 = tpu.vector_load %arg4[%get3A_88, %get3A_89] {strides = array<i32>} : memref<128x128xf32, #tpu.memory_space<vmem>>, vector<1x16xf32>,
      %get3A_91 = vector.shape_cast %get3A_90 : vector<1x16xf32> to vector<16xf32>
      %swap3A_92 = arith.index_cast %add3A_35 : i32 to index
      %swap3A_93 = arith.constant 96 : index
      %swap3A_94 = tpu.vector_load %arg5[%swap3A_92, %swap3A_93] {strides = array<i32>} : memref<128x128xf32, #tpu.memory_space<vmem>>, vector<1x16xf32>,
      %swap3A_95 = vector.shape_cast %swap3A_94 : vector<1x16xf32> to vector<16xf32>
      %swap3A_96 = vector.shape_cast %get3A_91 : vector<16xf32> to vector<1x16xf32>
      tpu.vector_store %arg5[%swap3A_92, %swap3A_93], %swap3A_96 {strides = array<i32>} : memref<128x128xf32, #tpu.memory_space<vmem>>, vector<1x16xf32>,
      %get3A_97 = arith.index_cast %add3A_35 : i32 to index
      %get3A_98 = arith.constant 112 : index
      %get3A_99 = tpu.vector_load %arg4[%get3A_97, %get3A_98] {strides = array<i32>} : memref<128x128xf32, #tpu.memory_space<vmem>>, vector<1x16xf32>,
      %get3A_100 = vector.shape_cast %get3A_99 : vector<1x16xf32> to vector<16xf32>
      %swap3A_101 = arith.index_cast %add3A_35 : i32 to index
      %swap3A_102 = arith.constant 112 : index
      %swap3A_103 = tpu.vector_load %arg5[%swap3A_101, %swap3A_102] {strides = array<i32>} : memref<128x128xf32, #tpu.memory_space<vmem>>, vector<1x16xf32>,
      %swap3A_104 = vector.shape_cast %swap3A_103 : vector<1x16xf32> to vector<16xf32>
      %swap3A_105 = vector.shape_cast %get3A_100 : vector<16xf32> to vector<1x16xf32>
      tpu.vector_store %arg5[%swap3A_101, %swap3A_102], %swap3A_105 {strides = array<i32>} : memref<128x128xf32, #tpu.memory_space<vmem>>, vector<1x16xf32>,
      %scan3A_106 = arith.constant 1 : i32
      %scan3A_107 = arith.addi %scan3A_31, %scan3A_106 : i32
      %mul3A_108 = arith.constant 1 : i32
      %mul3A_109 = arith.muli %scan3A_107, %mul3A_108 : i32
      %add3A_110 = arith.constant 0 : i32
      %add3A_111 = arith.addi %add3A_110, %mul3A_109 : i32
      %get3A_112 = arith.index_cast %add3A_111 : i32 to index
      %get3A_113 = arith.constant 0 : index
      %get3A_114 = tpu.vector_load %arg4[%get3A_112, %get3A_113] {strides = array<i32>} : memref<128x128xf32, #tpu.memory_space<vmem>>, vector<1x16xf32>,
      %get3A_115 = vector.shape_cast %get3A_114 : vector<1x16xf32> to vector<16xf32>
      %select_n3A_116 = arith.select %or3A, %broadcast_in_dim3A_10, %get3A_115 : vector<16xi1>, vector<16xf32>
      %swap3A_117 = arith.index_cast %add3A_111 : i32 to index
      %swap3A_118 = arith.constant 0 : index
      %swap3A_119 = tpu.vector_load %arg5[%swap3A_117, %swap3A_118] {strides = array<i32>} : memref<128x128xf32, #tpu.memory_space<vmem>>, vector<1x16xf32>,
      %swap3A_120 = vector.shape_cast %swap3A_119 : vector<1x16xf32> to vector<16xf32>
      %swap3A_121 = vector.shape_cast %select_n3A_116 : vector<16xf32> to vector<1x16xf32>
      tpu.vector_store %arg5[%swap3A_117, %swap3A_118], %swap3A_121 {strides = array<i32>} : memref<128x128xf32, #tpu.memory_space<vmem>>, vector<1x16xf32>,
      %get3A_122 = arith.index_cast %add3A_111 : i32 to index
      %get3A_123 = arith.constant 16 : index
      %get3A_124 = tpu.vector_load %arg4[%get3A_122, %get3A_123] {strides = array<i32>} : memref<128x128xf32, #tpu.memory_space<vmem>>, vector<1x16xf32>,
      %get3A_125 = vector.shape_cast %get3A_124 : vector<1x16xf32> to vector<16xf32>
      %swap3A_126 = arith.index_cast %add3A_111 : i32 to index
      %swap3A_127 = arith.constant 16 : index
      %swap3A_128 = tpu.vector_load %arg5[%swap3A_126, %swap3A_127] {strides = array<i32>} : memref<128x128xf32, #tpu.memory_space<vmem>>, vector<1x16xf32>,
      %swap3A_129 = vector.shape_cast %swap3A_128 : vector<1x16xf32> to vector<16xf32>
      %swap3A_130 = vector.shape_cast %get3A_125 : vector<16xf32> to vector<1x16xf32>
      tpu.vector_store %arg5[%swap3A_126, %swap3A_127], %swap3A_130 {strides = array<i32>} : memref<128x128xf32, #tpu.memory_space<vmem>>, vector<1x16xf32>,
      %get3A_131 = arith.index_cast %add3A_111 : i32 to index
      %get3A_132 = arith.constant 32 : index
      %get3A_133 = tpu.vector_load %arg4[%get3A_131, %get3A_132] {strides = array<i32>} : memref<128x128xf32, #tpu.memory_space<vmem>>, vector<1x16xf32>,
      %get3A_134 = vector.shape_cast %get3A_133 : vector<1x16xf32> to vector<16xf32>
      %swap3A_135 = arith.index_cast %add3A_111 : i32 to index
      %swap3A_136 = arith.constant 32 : index
      %swap3A_137 = tpu.vector_load %arg5[%swap3A_135, %swap3A_136] {strides = array<i32>} : memref<128x128xf32, #tpu.memory_space<vmem>>, vector<1x16xf32>,
      %swap3A_138 = vector.shape_cast %swap3A_137 : vector<1x16xf32> to vector<16xf32>
      %swap3A_139 = vector.shape_cast %get3A_134 : vector<16xf32> to vector<1x16xf32>
      tpu.vector_store %arg5[%swap3A_135, %swap3A_136], %swap3A_139 {strides = array<i32>} : memref<128x128xf32, #tpu.memory_space<vmem>>, vector<1x16xf32>,
      %get3A_140 = arith.index_cast %add3A_111 : i32 to index
      %get3A_141 = arith.constant 48 : index
      %get3A_142 = tpu.vector_load %arg4[%get3A_140, %get3A_141] {strides = array<i32>} : memref<128x128xf32, #tpu.memory_space<vmem>>, vector<1x16xf32>,
      %get3A_143 = vector.shape_cast %get3A_142 : vector<1x16xf32> to vector<16xf32>
      %swap3A_144 = arith.index_cast %add3A_111 : i32 to index
      %swap3A_145 = arith.constant 48 : index
      %swap3A_146 = tpu.vector_load %arg5[%swap3A_144, %swap3A_145] {strides = array<i32>} : memref<128x128xf32, #tpu.memory_space<vmem>>, vector<1x16xf32>,
      %swap3A_147 = vector.shape_cast %swap3A_146 : vector<1x16xf32> to vector<16xf32>
      %swap3A_148 = vector.shape_cast %get3A_143 : vector<16xf32> to vector<1x16xf32>
      tpu.vector_store %arg5[%swap3A_144, %swap3A_145], %swap3A_148 {strides = array<i32>} : memref<128x128xf32, #tpu.memory_space<vmem>>, vector<1x16xf32>,
      %get3A_149 = arith.index_cast %add3A_111 : i32 to index
      %get3A_150 = arith.constant 64 : index
      %get3A_151 = tpu.vector_load %arg4[%get3A_149, %get3A_150] {strides = array<i32>} : memref<128x128xf32, #tpu.memory_space<vmem>>, vector<1x16xf32>,
      %get3A_152 = vector.shape_cast %get3A_151 : vector<1x16xf32> to vector<16xf32>
      %swap3A_153 = arith.index_cast %add3A_111 : i32 to index
      %swap3A_154 = arith.constant 64 : index
      %swap3A_155 = tpu.vector_load %arg5[%swap3A_153, %swap3A_154] {strides = array<i32>} : memref<128x128xf32, #tpu.memory_space<vmem>>, vector<1x16xf32>,
      %swap3A_156 = vector.shape_cast %swap3A_155 : vector<1x16xf32> to vector<16xf32>
      %swap3A_157 = vector.shape_cast %get3A_152 : vector<16xf32> to vector<1x16xf32>
      tpu.vector_store %arg5[%swap3A_153, %swap3A_154], %swap3A_157 {strides = array<i32>} : memref<128x128xf32, #tpu.memory_space<vmem>>, vector<1x16xf32>,
      %get3A_158 = arith.index_cast %add3A_111 : i32 to index
      %get3A_159 = arith.constant 80 : index
      %get3A_160 = tpu.vector_load %arg4[%get3A_158, %get3A_159] {strides = array<i32>} : memref<128x128xf32, #tpu.memory_space<vmem>>, vector<1x16xf32>,
      %get3A_161 = vector.shape_cast %get3A_160 : vector<1x16xf32> to vector<16xf32>
      %swap3A_162 = arith.index_cast %add3A_111 : i32 to index
      %swap3A_163 = arith.constant 80 : index
      %swap3A_164 = tpu.vector_load %arg5[%swap3A_162, %swap3A_163] {strides = array<i32>} : memref<128x128xf32, #tpu.memory_space<vmem>>, vector<1x16xf32>,
      %swap3A_165 = vector.shape_cast %swap3A_164 : vector<1x16xf32> to vector<16xf32>
      %swap3A_166 = vector.shape_cast %get3A_161 : vector<16xf32> to vector<1x16xf32>
      tpu.vector_store %arg5[%swap3A_162, %swap3A_163], %swap3A_166 {strides = array<i32>} : memref<128x128xf32, #tpu.memory_space<vmem>>, vector<1x16xf32>,
      %get3A_167 = arith.index_cast %add3A_111 : i32 to index
      %get3A_168 = arith.constant 96 : index
      %get3A_169 = tpu.vector_load %arg4[%get3A_167, %get3A_168] {strides = array<i32>} : memref<128x128xf32, #tpu.memory_space<vmem>>, vector<1x16xf32>,
      %get3A_170 = vector.shape_cast %get3A_169 : vector<1x16xf32> to vector<16xf32>
      %swap3A_171 = arith.index_cast %add3A_111 : i32 to index
      %swap3A_172 = arith.constant 96 : index
      %swap3A_173 = tpu.vector_load %arg5[%swap3A_171, %swap3A_172] {strides = array<i32>} : memref<128x128xf32, #tpu.memory_space<vmem>>, vector<1x16xf32>,
      %swap3A_174 = vector.shape_cast %swap3A_173 : vector<1x16xf32> to vector<16xf32>
      %swap3A_175 = vector.shape_cast %get3A_170 : vector<16xf32> to vector<1x16xf32>
      tpu.vector_store %arg5[%swap3A_171, %swap3A_172], %swap3A_175 {strides = array<i32>} : memref<128x128xf32, #tpu.memory_space<vmem>>, vector<1x16xf32>,
      %get3A_176 = arith.index_cast %add3A_111 : i32 to index
      %get3A_177 = arith.constant 112 : index
      %get3A_178 = tpu.vector_load %arg4[%get3A_176, %get3A_177] {strides = array<i32>} : memref<128x128xf32, #tpu.memory_space<vmem>>, vector<1x16xf32>,
      %get3A_179 = vector.shape_cast %get3A_178 : vector<1x16xf32> to vector<16xf32>
      %swap3A_180 = arith.index_cast %add3A_111 : i32 to index
      %swap3A_181 = arith.constant 112 : index
      %swap3A_182 = tpu.vector_load %arg5[%swap3A_180, %swap3A_181] {strides = array<i32>} : memref<128x128xf32, #tpu.memory_space<vmem>>, vector<1x16xf32>,
      %swap3A_183 = vector.shape_cast %swap3A_182 : vector<1x16xf32> to vector<16xf32>
      %swap3A_184 = vector.shape_cast %get3A_179 : vector<16xf32> to vector<1x16xf32>
      tpu.vector_store %arg5[%swap3A_180, %swap3A_181], %swap3A_184 {strides = array<i32>} : memref<128x128xf32, #tpu.memory_space<vmem>>, vector<1x16xf32>,
      %scan3A_185 = arith.constant 2 : i32
      %scan3A_186 = arith.addi %scan3A_31, %scan3A_185 : i32
      %mul3A_187 = arith.constant 1 : i32
      %mul3A_188 = arith.muli %scan3A_186, %mul3A_187 : i32
      %add3A_189 = arith.constant 0 : i32
      %add3A_190 = arith.addi %add3A_189, %mul3A_188 : i32
      %get3A_191 = arith.index_cast %add3A_190 : i32 to index
      %get3A_192 = arith.constant 0 : index
      %get3A_193 = tpu.vector_load %arg4[%get3A_191, %get3A_192] {strides = array<i32>} : memref<128x128xf32, #tpu.memory_space<vmem>>, vector<1x16xf32>,
      %get3A_194 = vector.shape_cast %get3A_193 : vector<1x16xf32> to vector<16xf32>
      %select_n3A_195 = arith.select %or3A, %broadcast_in_dim3A_10, %get3A_194 : vector<16xi1>, vector<16xf32>
      %swap3A_196 = arith.index_cast %add3A_190 : i32 to index
      %swap3A_197 = arith.constant 0 : index
      %swap3A_198 = tpu.vector_load %arg5[%swap3A_196, %swap3A_197] {strides = array<i32>} : memref<128x128xf32, #tpu.memory_space<vmem>>, vector<1x16xf32>,
      %swap3A_199 = vector.shape_cast %swap3A_198 : vector<1x16xf32> to vector<16xf32>
      %swap3A_200 = vector.shape_cast %select_n3A_195 : vector<16xf32> to vector<1x16xf32>
      tpu.vector_store %arg5[%swap3A_196, %swap3A_197], %swap3A_200 {strides = array<i32>} : memref<128x128xf32, #tpu.memory_space<vmem>>, vector<1x16xf32>,
      %get3A_201 = arith.index_cast %add3A_190 : i32 to index
      %get3A_202 = arith.constant 16 : index
      %get3A_203 = tpu.vector_load %arg4[%get3A_201, %get3A_202] {strides = array<i32>} : memref<128x128xf32, #tpu.memory_space<vmem>>, vector<1x16xf32>,
      %get3A_204 = vector.shape_cast %get3A_203 : vector<1x16xf32> to vector<16xf32>
      %swap3A_205 = arith.index_cast %add3A_190 : i32 to index
      %swap3A_206 = arith.constant 16 : index
      %swap3A_207 = tpu.vector_load %arg5[%swap3A_205, %swap3A_206] {strides = array<i32>} : memref<128x128xf32, #tpu.memory_space<vmem>>, vector<1x16xf32>,
      %swap3A_208 = vector.shape_cast %swap3A_207 : vector<1x16xf32> to vector<16xf32>
      %swap3A_209 = vector.shape_cast %get3A_204 : vector<16xf32> to vector<1x16xf32>
      tpu.vector_store %arg5[%swap3A_205, %swap3A_206], %swap3A_209 {strides = array<i32>} : memref<128x128xf32, #tpu.memory_space<vmem>>, vector<1x16xf32>,
      %get3A_210 = arith.index_cast %add3A_190 : i32 to index
      %get3A_211 = arith.constant 32 : index
      %get3A_212 = tpu.vector_load %arg4[%get3A_210, %get3A_211] {strides = array<i32>} : memref<128x128xf32, #tpu.memory_space<vmem>>, vector<1x16xf32>,
      %get3A_213 = vector.shape_cast %get3A_212 : vector<1x16xf32> to vector<16xf32>
      %swap3A_214 = arith.index_cast %add3A_190 : i32 to index
      %swap3A_215 = arith.constant 32 : index
      %swap3A_216 = tpu.vector_load %arg5[%swap3A_214, %swap3A_215] {strides = array<i32>} : memref<128x128xf32, #tpu.memory_space<vmem>>, vector<1x16xf32>,
      %swap3A_217 = vector.shape_cast %swap3A_216 : vector<1x16xf32> to vector<16xf32>
      %swap3A_218 = vector.shape_cast %get3A_213 : vector<16xf32> to vector<1x16xf32>
      tpu.vector_store %arg5[%swap3A_214, %swap3A_215], %swap3A_218 {strides = array<i32>} : memref<128x128xf32, #tpu.memory_space<vmem>>, vector<1x16xf32>,
      %get3A_219 = arith.index_cast %add3A_190 : i32 to index
      %get3A_220 = arith.constant 48 : index
      %get3A_221 = tpu.vector_load %arg4[%get3A_219, %get3A_220] {strides = array<i32>} : memref<128x128xf32, #tpu.memory_space<vmem>>, vector<1x16xf32>,
      %get3A_222 = vector.shape_cast %get3A_221 : vector<1x16xf32> to vector<16xf32>
      %swap3A_223 = arith.index_cast %add3A_190 : i32 to index
      %swap3A_224 = arith.constant 48 : index
      %swap3A_225 = tpu.vector_load %arg5[%swap3A_223, %swap3A_224] {strides = array<i32>} : memref<128x128xf32, #tpu.memory_space<vmem>>, vector<1x16xf32>,
      %swap3A_226 = vector.shape_cast %swap3A_225 : vector<1x16xf32> to vector<16xf32>
      %swap3A_227 = vector.shape_cast %get3A_222 : vector<16xf32> to vector<1x16xf32>
      tpu.vector_store %arg5[%swap3A_223, %swap3A_224], %swap3A_227 {strides = array<i32>} : memref<128x128xf32, #tpu.memory_space<vmem>>, vector<1x16xf32>,
      %get3A_228 = arith.index_cast %add3A_190 : i32 to index
      %get3A_229 = arith.constant 64 : index
      %get3A_230 = tpu.vector_load %arg4[%get3A_228, %get3A_229] {strides = array<i32>} : memref<128x128xf32, #tpu.memory_space<vmem>>, vector<1x16xf32>,
      %get3A_231 = vector.shape_cast %get3A_230 : vector<1x16xf32> to vector<16xf32>
      %swap3A_232 = arith.index_cast %add3A_190 : i32 to index
      %swap3A_233 = arith.constant 64 : index
      %swap3A_234 = tpu.vector_load %arg5[%swap3A_232, %swap3A_233] {strides = array<i32>} : memref<128x128xf32, #tpu.memory_space<vmem>>, vector<1x16xf32>,
      %swap3A_235 = vector.shape_cast %swap3A_234 : vector<1x16xf32> to vector<16xf32>
      %swap3A_236 = vector.shape_cast %get3A_231 : vector<16xf32> to vector<1x16xf32>
      tpu.vector_store %arg5[%swap3A_232, %swap3A_233], %swap3A_236 {strides = array<i32>} : memref<128x128xf32, #tpu.memory_space<vmem>>, vector<1x16xf32>,
      %get3A_237 = arith.index_cast %add3A_190 : i32 to index
      %get3A_238 = arith.constant 80 : index
      %get3A_239 = tpu.vector_load %arg4[%get3A_237, %get3A_238] {strides = array<i32>} : memref<128x128xf32, #tpu.memory_space<vmem>>, vector<1x16xf32>,
      %get3A_240 = vector.shape_cast %get3A_239 : vector<1x16xf32> to vector<16xf32>
      %swap3A_241 = arith.index_cast %add3A_190 : i32 to index
      %swap3A_242 = arith.constant 80 : index
      %swap3A_243 = tpu.vector_load %arg5[%swap3A_241, %swap3A_242] {strides = array<i32>} : memref<128x128xf32, #tpu.memory_space<vmem>>, vector<1x16xf32>,
      %swap3A_244 = vector.shape_cast %swap3A_243 : vector<1x16xf32> to vector<16xf32>
      %swap3A_245 = vector.shape_cast %get3A_240 : vector<16xf32> to vector<1x16xf32>
      tpu.vector_store %arg5[%swap3A_241, %swap3A_242], %swap3A_245 {strides = array<i32>} : memref<128x128xf32, #tpu.memory_space<vmem>>, vector<1x16xf32>,
      %get3A_246 = arith.index_cast %add3A_190 : i32 to index
      %get3A_247 = arith.constant 96 : index
      %get3A_248 = tpu.vector_load %arg4[%get3A_246, %get3A_247] {strides = array<i32>} : memref<128x128xf32, #tpu.memory_space<vmem>>, vector<1x16xf32>,
      %get3A_249 = vector.shape_cast %get3A_248 : vector<1x16xf32> to vector<16xf32>
      %swap3A_250 = arith.index_cast %add3A_190 : i32 to index
      %swap3A_251 = arith.constant 96 : index
      %swap3A_252 = tpu.vector_load %arg5[%swap3A_250, %swap3A_251] {strides = array<i32>} : memref<128x128xf32, #tpu.memory_space<vmem>>, vector<1x16xf32>,
      %swap3A_253 = vector.shape_cast %swap3A_252 : vector<1x16xf32> to vector<16xf32>
      %swap3A_254 = vector.shape_cast %get3A_249 : vector<16xf32> to vector<1x16xf32>
      tpu.vector_store %arg5[%swap3A_250, %swap3A_251], %swap3A_254 {strides = array<i32>} : memref<128x128xf32, #tpu.memory_space<vmem>>, vector<1x16xf32>,
      %get3A_255 = arith.index_cast %add3A_190 : i32 to index
      %get3A_256 = arith.constant 112 : index
      %get3A_257 = tpu.vector_load %arg4[%get3A_255, %get3A_256] {strides = array<i32>} : memref<128x128xf32, #tpu.memory_space<vmem>>, vector<1x16xf32>,
      %get3A_258 = vector.shape_cast %get3A_257 : vector<1x16xf32> to vector<16xf32>
      %swap3A_259 = arith.index_cast %add3A_190 : i32 to index
      %swap3A_260 = arith.constant 112 : index
      %swap3A_261 = tpu.vector_load %arg5[%swap3A_259, %swap3A_260] {strides = array<i32>} : memref<128x128xf32, #tpu.memory_space<vmem>>, vector<1x16xf32>,
      %swap3A_262 = vector.shape_cast %swap3A_261 : vector<1x16xf32> to vector<16xf32>
      %swap3A_263 = vector.shape_cast %get3A_258 : vector<16xf32> to vector<1x16xf32>
      tpu.vector_store %arg5[%swap3A_259, %swap3A_260], %swap3A_263 {strides = array<i32>} : memref<128x128xf32, #tpu.memory_space<vmem>>, vector<1x16xf32>,
      %scan3A_264 = arith.constant 3 : i32
      %scan3A_265 = arith.addi %scan3A_31, %scan3A_264 : i32
      %mul3A_266 = arith.constant 1 : i32
      %mul3A_267 = arith.muli %scan3A_265, %mul3A_266 : i32
      %add3A_268 = arith.constant 0 : i32
      %add3A_269 = arith.addi %add3A_268, %mul3A_267 : i32
      %get3A_270 = arith.index_cast %add3A_269 : i32 to index
      %get3A_271 = arith.constant 0 : index
      %get3A_272 = tpu.vector_load %arg4[%get3A_270, %get3A_271] {strides = array<i32>} : memref<128x128xf32, #tpu.memory_space<vmem>>, vector<1x16xf32>,
      %get3A_273 = vector.shape_cast %get3A_272 : vector<1x16xf32> to vector<16xf32>
      %select_n3A_274 = arith.select %or3A, %broadcast_in_dim3A_10, %get3A_273 : vector<16xi1>, vector<16xf32>
      %swap3A_275 = arith.index_cast %add3A_269 : i32 to index
      %swap3A_276 = arith.constant 0 : index
      %swap3A_277 = tpu.vector_load %arg5[%swap3A_275, %swap3A_276] {strides = array<i32>} : memref<128x128xf32, #tpu.memory_space<vmem>>, vector<1x16xf32>,
      %swap3A_278 = vector.shape_cast %swap3A_277 : vector<1x16xf32> to vector<16xf32>
      %swap3A_279 = vector.shape_cast %select_n3A_274 : vector<16xf32> to vector<1x16xf32>
      tpu.vector_store %arg5[%swap3A_275, %swap3A_276], %swap3A_279 {strides = array<i32>} : memref<128x128xf32, #tpu.memory_space<vmem>>, vector<1x16xf32>,
      %get3A_280 = arith.index_cast %add3A_269 : i32 to index
      %get3A_281 = arith.constant 16 : index
      %get3A_282 = tpu.vector_load %arg4[%get3A_280, %get3A_281] {strides = array<i32>} : memref<128x128xf32, #tpu.memory_space<vmem>>, vector<1x16xf32>,
      %get3A_283 = vector.shape_cast %get3A_282 : vector<1x16xf32> to vector<16xf32>
      %swap3A_284 = arith.index_cast %add3A_269 : i32 to index
      %swap3A_285 = arith.constant 16 : index
      %swap3A_286 = tpu.vector_load %arg5[%swap3A_284, %swap3A_285] {strides = array<i32>} : memref<128x128xf32, #tpu.memory_space<vmem>>, vector<1x16xf32>,
      %swap3A_287 = vector.shape_cast %swap3A_286 : vector<1x16xf32> to vector<16xf32>
      %swap3A_288 = vector.shape_cast %get3A_283 : vector<16xf32> to vector<1x16xf32>
      tpu.vector_store %arg5[%swap3A_284, %swap3A_285], %swap3A_288 {strides = array<i32>} : memref<128x128xf32, #tpu.memory_space<vmem>>, vector<1x16xf32>,
      %get3A_289 = arith.index_cast %add3A_269 : i32 to index
      %get3A_290 = arith.constant 32 : index
      %get3A_291 = tpu.vector_load %arg4[%get3A_289, %get3A_290] {strides = array<i32>} : memref<128x128xf32, #tpu.memory_space<vmem>>, vector<1x16xf32>,
      %get3A_292 = vector.shape_cast %get3A_291 : vector<1x16xf32> to vector<16xf32>
      %swap3A_293 = arith.index_cast %add3A_269 : i32 to index
      %swap3A_294 = arith.constant 32 : index
      %swap3A_295 = tpu.vector_load %arg5[%swap3A_293, %swap3A_294] {strides = array<i32>} : memref<128x128xf32, #tpu.memory_space<vmem>>, vector<1x16xf32>,
      %swap3A_296 = vector.shape_cast %swap3A_295 : vector<1x16xf32> to vector<16xf32>
      %swap3A_297 = vector.shape_cast %get3A_292 : vector<16xf32> to vector<1x16xf32>
      tpu.vector_store %arg5[%swap3A_293, %swap3A_294], %swap3A_297 {strides = array<i32>} : memref<128x128xf32, #tpu.memory_space<vmem>>, vector<1x16xf32>,
      %get3A_298 = arith.index_cast %add3A_269 : i32 to index
      %get3A_299 = arith.constant 48 : index
      %get3A_300 = tpu.vector_load %arg4[%get3A_298, %get3A_299] {strides = array<i32>} : memref<128x128xf32, #tpu.memory_space<vmem>>, vector<1x16xf32>,
      %get3A_301 = vector.shape_cast %get3A_300 : vector<1x16xf32> to vector<16xf32>
      %swap3A_302 = arith.index_cast %add3A_269 : i32 to index
      %swap3A_303 = arith.constant 48 : index
      %swap3A_304 = tpu.vector_load %arg5[%swap3A_302, %swap3A_303] {strides = array<i32>} : memref<128x128xf32, #tpu.memory_space<vmem>>, vector<1x16xf32>,
      %swap3A_305 = vector.shape_cast %swap3A_304 : vector<1x16xf32> to vector<16xf32>
      %swap3A_306 = vector.shape_cast %get3A_301 : vector<16xf32> to vector<1x16xf32>
      tpu.vector_store %arg5[%swap3A_302, %swap3A_303], %swap3A_306 {strides = array<i32>} : memref<128x128xf32, #tpu.memory_space<vmem>>, vector<1x16xf32>,
      %get3A_307 = arith.index_cast %add3A_269 : i32 to index
      %get3A_308 = arith.constant 64 : index
      %get3A_309 = tpu.vector_load %arg4[%get3A_307, %get3A_308] {strides = array<i32>} : memref<128x128xf32, #tpu.memory_space<vmem>>, vector<1x16xf32>,
      %get3A_310 = vector.shape_cast %get3A_309 : vector<1x16xf32> to vector<16xf32>
      %swap3A_311 = arith.index_cast %add3A_269 : i32 to index
      %swap3A_312 = arith.constant 64 : index
      %swap3A_313 = tpu.vector_load %arg5[%swap3A_311, %swap3A_312] {strides = array<i32>} : memref<128x128xf32, #tpu.memory_space<vmem>>, vector<1x16xf32>,
      %swap3A_314 = vector.shape_cast %swap3A_313 : vector<1x16xf32> to vector<16xf32>
      %swap3A_315 = vector.shape_cast %get3A_310 : vector<16xf32> to vector<1x16xf32>
      tpu.vector_store %arg5[%swap3A_311, %swap3A_312], %swap3A_315 {strides = array<i32>} : memref<128x128xf32, #tpu.memory_space<vmem>>, vector<1x16xf32>,
      %get3A_316 = arith.index_cast %add3A_269 : i32 to index
      %get3A_317 = arith.constant 80 : index
      %get3A_318 = tpu.vector_load %arg4[%get3A_316, %get3A_317] {strides = array<i32>} : memref<128x128xf32, #tpu.memory_space<vmem>>, vector<1x16xf32>,
      %get3A_319 = vector.shape_cast %get3A_318 : vector<1x16xf32> to vector<16xf32>
      %swap3A_320 = arith.index_cast %add3A_269 : i32 to index
      %swap3A_321 = arith.constant 80 : index
      %swap3A_322 = tpu.vector_load %arg5[%swap3A_320, %swap3A_321] {strides = array<i32>} : memref<128x128xf32, #tpu.memory_space<vmem>>, vector<1x16xf32>,
      %swap3A_323 = vector.shape_cast %swap3A_322 : vector<1x16xf32> to vector<16xf32>
      %swap3A_324 = vector.shape_cast %get3A_319 : vector<16xf32> to vector<1x16xf32>
      tpu.vector_store %arg5[%swap3A_320, %swap3A_321], %swap3A_324 {strides = array<i32>} : memref<128x128xf32, #tpu.memory_space<vmem>>, vector<1x16xf32>,
      %get3A_325 = arith.index_cast %add3A_269 : i32 to index
      %get3A_326 = arith.constant 96 : index
      %get3A_327 = tpu.vector_load %arg4[%get3A_325, %get3A_326] {strides = array<i32>} : memref<128x128xf32, #tpu.memory_space<vmem>>, vector<1x16xf32>,
      %get3A_328 = vector.shape_cast %get3A_327 : vector<1x16xf32> to vector<16xf32>
      %swap3A_329 = arith.index_cast %add3A_269 : i32 to index
      %swap3A_330 = arith.constant 96 : index
      %swap3A_331 = tpu.vector_load %arg5[%swap3A_329, %swap3A_330] {strides = array<i32>} : memref<128x128xf32, #tpu.memory_space<vmem>>, vector<1x16xf32>,
      %swap3A_332 = vector.shape_cast %swap3A_331 : vector<1x16xf32> to vector<16xf32>
      %swap3A_333 = vector.shape_cast %get3A_328 : vector<16xf32> to vector<1x16xf32>
      tpu.vector_store %arg5[%swap3A_329, %swap3A_330], %swap3A_333 {strides = array<i32>} : memref<128x128xf32, #tpu.memory_space<vmem>>, vector<1x16xf32>,
      %get3A_334 = arith.index_cast %add3A_269 : i32 to index
      %get3A_335 = arith.constant 112 : index
      %get3A_336 = tpu.vector_load %arg4[%get3A_334, %get3A_335] {strides = array<i32>} : memref<128x128xf32, #tpu.memory_space<vmem>>, vector<1x16xf32>,
      %get3A_337 = vector.shape_cast %get3A_336 : vector<1x16xf32> to vector<16xf32>
      %swap3A_338 = arith.index_cast %add3A_269 : i32 to index
      %swap3A_339 = arith.constant 112 : index
      %swap3A_340 = tpu.vector_load %arg5[%swap3A_338, %swap3A_339] {strides = array<i32>} : memref<128x128xf32, #tpu.memory_space<vmem>>, vector<1x16xf32>,
      %swap3A_341 = vector.shape_cast %swap3A_340 : vector<1x16xf32> to vector<16xf32>
      %swap3A_342 = vector.shape_cast %get3A_337 : vector<16xf32> to vector<1x16xf32>
      tpu.vector_store %arg5[%swap3A_338, %swap3A_339], %swap3A_342 {strides = array<i32>} : memref<128x128xf32, #tpu.memory_space<vmem>>, vector<1x16xf32>,
    }
    %scan3A_20 = arith.constant 128 : i32
    %scan3A_21 = arith.constant 0 : i32
    %scan3A_22 = arith.constant 49 : i32
    %scan3A_23 = arith.addi %scan3A_21, %scan3A_22 : i32
    %scan3A_24 = arith.constant 1 : i32
    scf.for %scan3A_31 = %scan3A_21 to %scan3A_23 step %scan3A_24  : i32 {
      %mul3A_32 = arith.constant 1 : i32
      %mul3A_33 = arith.muli %scan3A_31, %mul3A_32 : i32
      %add3A_34 = arith.constant 0 : i32
      %add3A_35 = arith.addi %add3A_34, %mul3A_33 : i32
      %dma_start3A_36 = arith.constant 0 : i32
      %dma_start3A_37 = tpu.memref_slice %arg3[%add3A_35, %mul3A_2, %dma_start3A_36] : memref<50x4096x128xf32, #tpu.memory_space<hbm>> -> memref<1x128x128xf32, #tpu.memory_space<hbm>>
      %dma_start3A_38 = tpu.memref_squeeze %dma_start3A_37 : memref<1x128x128xf32, #tpu.memory_space<hbm>> -> memref<128x128xf32, #tpu.memory_space<hbm>>
      %dma_start3A_39 = arith.constant 0 : i32
      %dma_start3A_40 = tpu.memref_slice %arg3[%add3A_35, %mul3A_2, %dma_start3A_39] : memref<50x4096x128xf32, #tpu.memory_space<hbm>> -> memref<1x128x128xf32, #tpu.memory_space<hbm>>
      %dma_start3A_41 = tpu.memref_squeeze %dma_start3A_40 : memref<1x128x128xf32, #tpu.memory_space<hbm>> -> memref<128x128xf32, #tpu.memory_space<hbm>>
      tpu.enqueue_dma source(%arg5 : memref<128x128xf32, #tpu.memory_space<vmem>>) target(%dma_start3A_41 : memref<128x128xf32, #tpu.memory_space<hbm>>) target_semaphore(%arg6 : memref<!tpu.dma_semaphore, #tpu.memory_space<semaphore_mem>>)
    }
    %scan3A_25 = arith.constant 49 : i32
    %scan3A_26 = arith.constant 0 : i32
    %scan3A_27 = arith.constant 50 : i32
    %scan3A_28 = arith.addi %scan3A_26, %scan3A_27 : i32
    %scan3A_29 = arith.constant 1 : i32
    scf.for %scan3A_31 = %scan3A_26 to %scan3A_28 step %scan3A_29  : i32 {
      %mul3A_32 = arith.constant 1 : i32
      %mul3A_33 = arith.muli %scan3A_31, %mul3A_32 : i32
      %add3A_34 = arith.constant 0 : i32
      %add3A_35 = arith.addi %add3A_34, %mul3A_33 : i32
      %dma_wait3A = arith.constant 0 : i32
      %dma_wait3A_36 = arith.constant 0 : i32
      %dma_wait3A_37 = tpu.memref_slice %arg3[%dma_wait3A, %mul3A_2, %dma_wait3A_36] : memref<50x4096x128xf32, #tpu.memory_space<hbm>> -> memref<1x128x128xf32, #tpu.memory_space<hbm>>
      %dma_wait3A_38 = tpu.memref_squeeze %dma_wait3A_37 : memref<1x128x128xf32, #tpu.memory_space<hbm>> -> memref<128x128xf32, #tpu.memory_space<hbm>>
      %dma_wait3A_39 = arith.constant 0 : i32
      %dma_wait3A_40 = tpu.memref_slice %arg3[%dma_wait3A, %mul3A_2, %dma_wait3A_39] : memref<50x4096x128xf32, #tpu.memory_space<hbm>> -> memref<1x128x128xf32, #tpu.memory_space<hbm>>
      %dma_wait3A_41 = tpu.memref_squeeze %dma_wait3A_40 : memref<1x128x128xf32, #tpu.memory_space<hbm>> -> memref<128x128xf32, #tpu.memory_space<hbm>>
      tpu.wait_dma2 semaphore(%arg6 : memref<!tpu.dma_semaphore, #tpu.memory_space<semaphore_mem>>) src(%arg5 : memref<128x128xf32, #tpu.memory_space<vmem>>) dst(%dma_wait3A_41 : memref<128x128xf32, #tpu.memory_space<hbm>>)
    }
    %scan3A_30 = arith.constant 50 : i32
    return
  }
}

module attributes {stable_mosaic.version = 14 : i64} {
  func.func @_mask_body(%arg0: memref<50x4096xi32, #tpu.memory_space<vmem>>) attributes {dimension_semantics = [], scalar_prefetch = 0 : i64, scratch_operands = 0 : i64, tpu.core_type = #tpu.core_type<tc>} {
    %iota3A = tpu.iota {dimensions = array<i32: 0>} : vector<50x4096xi32>
    %lt3A = arith.constant 49 : i32
    %lt3A_0 = vector.broadcast %lt3A : i32 to vector<50x4096xi32>
    %lt3A_1 = arith.cmpi slt, %iota3A, %lt3A_0 : vector<50x4096xi32>
    %swap3A = arith.constant 0 : index
    %swap3A_2 = arith.constant 0 : index
    %swap3A_3 = vector.load %arg0[%swap3A, %swap3A_2] : memref<50x4096xi32, #tpu.memory_space<vmem>>, vector<50x4096xi32>
    %swap3A_4 = arith.extui %lt3A_1 : vector<50x4096xi1> to vector<50x4096xi32>
    %swap3A_5 = arith.constant dense<0> : vector<50x4096xi32>
    %swap3A_6 = arith.cmpi ne, %swap3A_3, %swap3A_5 : vector<50x4096xi32>
    tpu.vector_store %arg0[%swap3A, %swap3A_2], %swap3A_4 {strides = array<i32>} : memref<50x4096xi32, #tpu.memory_space<vmem>>, vector<50x4096xi32>,
    return
  }
}

</mosaic_0001>

<sc_bundles>
// kernel: kernel.4.cloned.1.call-start
scs
__scs_entry_jumppad:
0x0: {  	(pc) =	sbr.rel $0x88, $3  }
0x1: {  	(tag) =	ssettag $0x0;
	lr =	simm.s32 $0x1  }
0x2: {  	[smem:$0x3FA0] =	sst lr;
	_ =	strace $0xD0000000  }
0x3: {  	_ = 	snop  }
0x4: {  	_ = 	snop  }
0x5: {  	_ = 	snop  }
0x6: {  	_ = 	snop  }
0x7: {  	_ = 	snop  }
__scs_overlays_trampoline_lowered:
0x8: {  	[smem:$0x3FAF] =	sst s0  }
0x9: {  	[smem:$0x3FB0] =	sst s1  }
0xa: {  	[smem:$0x3FB1] =	sst s2  }
0xb: {  	[smem:$0x3FB2] =	sst s3  }
0xc: {  	[smem:$0x3FB3] =	sst s4  }
0xd: {  	[smem:$0x3FB4] =	sst s5  }
0xe: {  	[smem:$0x3FB5] =	sst s6  }
0xf: {  	[smem:$0x3FB6] =	sst s7  }
0x10: {  	[smem:$0x3FB7] =	sst s8  }
0x11: {  	[smem:$0x3FB8] =	sst s9;
	s0 =	simm.s32 @!p0 $0x0  }
0x12: {  	s1 =	sld [smem:$0x3F9E];
	s0 =	simm.s32 @p0 $0x1  }
0x13: {  	[smem:$0x3FB9] =	sst s0;
	s0 =	simm.s32 @!p1 $0x0  }
0x14: {  	s2 =	sld [smem:$0x3F9D];
	s0 =	simm.s32 @p1 $0x1  }
0x15: {  	[smem:$0x3FBA] =	sst s0;
	s0 =	simm.s32 @!p2 $0x0  }
0x16: {  	s3 =	sld [smem:$0x3FDB];
	s0 =	simm.s32 @p2 $0x1  }
0x17: {  	s4 =	simm.s32 $0x1BF5;
	[smem:$0x3FBC] =	sst s0  }
0x18: {  	s0 =	sld [smem:$0x3F9F];
	_ =	swait.ge [sflag:s4], $0x0  }
0x19: {  	s7 =	sld [smem:$0x3FA0]  }
0x1a: {  	s8 =	sadd.s32 $0xFFFFE003, lr  }
0x1b: {  	s9 =	sadd.s32 $0xFFFFFEF7, lr;
	s5 =	simm.s32 $0xFFFFFFFF;
	p2 =	slt.u32 s8, $0xFFFFF086  }
0x1c: {  	p1 =	slt.u32 s9, $0xF7A;
	s5 =	simm.s32 @!p2 $0x0  }
0x1d: {  	s5 =	simm.s32 @p1 $0x1;
	p0 =	seq.s32 s7, s2  }
0x1e: {  	s7 =	smul.u32 @!p0 $0xF7A, s2;
	p2 =	seq.s32 @!p0 s5, $0x0  }
0x1f: {  	s9 =	smul.u32 $0xF7A, s1;
	s8 =	simm.s32 @!p0 $0x1BF5;
	p2 =	por !p2, p0  }
0x20: {  	[sflag:s8] =	ssyncset.s32 @!p0 $0xFFFFF086;
	s6 =	sadd.s32 @!p0 s3, s7;
	s7 =	simm.s32 @!p0 $0x108  }
0x21: {  	s3 =	sadd.s32 s3, s9;
	s6 =	sadd.s32 @!p0 $0x88, s6;
	s7 =	simm.s32 @p2 $0x1082  }
0x22: {  	[simem:s7], [sflag:s8] =	dma.local @!p0 [hbm:s6], $0xF7A  }
0x23: {  	s9 =	sor.u32 $0xD0000000, s2;
	s6 =	simm.s32 $0x108;
	_ =	swait.ge @!p0 [sflag:s8], $0x0  }
0x24: {  	s3 =	sadd.s32 $0x88, s3;
	s6 =	simm.s32 @!p1 $0x1082;
	[sflag:s4] =	ssyncset.s32 $0xFFFFF086  }
0x25: {  	[simem:s6], [sflag:s4] =	dma.local [hbm:s3], $0xF7A  }
0x26: {  	[smem:$0x3FA0] =	sst s1;
	(tag) =	ssettag s2;
	_ =	strace s9  }
0x27: {  	s1 =	sld [smem:$0x3FB0]  }
0x28: {  	s2 =	sld [smem:$0x3FB1]  }
0x29: {  	s4 =	sld [smem:$0x3FB3]  }
0x2a: {  	p0 =	seq.s32 s5, $0x0;
	s5 =	sld [smem:$0x3FB4]  }
0x2b: {  	s6 =	sld [smem:$0x3FB5]  }
0x2c: {  	s7 =	sld [smem:$0x3FB6]  }
0x2d: {  	s3 =	simm.s32 $0x108;
	s8 =	sld [smem:$0x3FB7]  }
0x2e: {  	s3 =	simm.s32 @!p0 $0x1082;
	s9 =	sld [smem:$0x3FB8]  }
0x2f: {  	lr =	sadd.s32 s0, s3;
	s0 =	sld [smem:$0x3FAF]  }
0x30: {  	s3 =	sld [smem:$0x3FB2]  }
0x31: {  	[smem:$0x3FBB] =	sst s10  }
0x32: {  	s10 =	sld [smem:$0x3FB9];
	_ =	sdelay $0x3  }
0x33: {  	p0 =	seq.s32 s10, $0x1;
	s10 =	sld [smem:$0x3FBB];
	_ =	sdelay $0x3  }
0x34: {  	[smem:$0x3FBB] =	sst s10  }
0x35: {  	s10 =	sld [smem:$0x3FBA];
	_ =	sdelay $0x3  }
0x36: {  	p1 =	seq.s32 s10, $0x1;
	s10 =	sld [smem:$0x3FBB];
	_ =	sdelay $0x3  }
0x37: {  	[smem:$0x3FBB] =	sst s10  }
0x38: {  	s10 =	sld [smem:$0x3FBC]  }
0x39: {  	_ = 	snop;
	(pc) =	sbr.ind lr, $3  }
0x3a: {  	_ = 	snop  }
0x3b: {  	_ = 	snop  }
0x3c: {  	p2 =	seq.s32 s10, $0x1;
	s10 =	sld [smem:$0x3FBB]  }
0x3d: {  	_ =	shalt  }
0x3e: {  	_ =	shalt  }
0x3f: {  	_ =	shalt  }
0x40: {  	_ =	shalt  }
0x41: {  	_ =	shalt  }
0x42: {  	_ =	shalt  }
0x43: {  	_ =	shalt  }
0x44: {  	_ =	shalt  }
0x45: {  	_ =	shalt  }
0x46: {  	_ =	shalt  }
0x47: {  	_ =	shalt  }
0x48: {  	_ =	shalt  }
0x49: {  	_ =	shalt  }
0x4a: {  	_ =	shalt  }
0x4b: {  	_ =	shalt  }
0x4c: {  	_ =	shalt  }
0x4d: {  	_ =	shalt  }
0x4e: {  	_ =	shalt  }
0x4f: {  	_ =	shalt  }
0x50: {  	_ =	shalt  }
0x51: {  	_ =	shalt  }
0x52: {  	_ =	shalt  }
0x53: {  	_ =	shalt  }
0x54: {  	_ =	shalt  }
0x55: {  	_ =	shalt  }
0x56: {  	_ =	shalt  }
0x57: {  	_ =	shalt  }
0x58: {  	_ =	shalt  }
0x59: {  	_ =	shalt  }
0x5a: {  	_ =	shalt  }
0x5b: {  	_ =	shalt  }
0x5c: {  	_ =	shalt  }
0x5d: {  	_ =	shalt  }
0x5e: {  	_ =	shalt  }
0x5f: {  	_ =	shalt  }
0x60: {  	_ =	shalt  }
0x61: {  	_ =	shalt  }
0x62: {  	_ =	shalt  }
0x63: {  	_ =	shalt  }
0x64: {  	_ =	shalt  }
0x65: {  	_ =	shalt  }
0x66: {  	_ =	shalt  }
0x67: {  	_ =	shalt  }
0x68: {  	_ =	shalt  }
0x69: {  	_ =	shalt  }
0x6a: {  	_ =	shalt  }
0x6b: {  	_ =	shalt  }
0x6c: {  	_ =	shalt  }
0x6d: {  	_ =	shalt  }
0x6e: {  	_ =	shalt  }
0x6f: {  	_ =	shalt  }
0x70: {  	_ =	shalt  }
0x71: {  	_ =	shalt  }
0x72: {  	_ =	shalt  }
0x73: {  	_ =	shalt  }
0x74: {  	_ =	shalt  }
0x75: {  	_ =	shalt  }
0x76: {  	_ =	shalt  }
0x77: {  	_ =	shalt  }
0x78: {  	_ =	shalt  }
0x79: {  	_ =	shalt  }
0x7a: {  	_ =	shalt  }
0x7b: {  	_ =	shalt  }
0x7c: {  	_ =	shalt  }
0x7d: {  	_ =	shalt  }
0x7e: {  	_ =	shalt  }
0x7f: {  	_ =	shalt  }
0x80: {  	_ =	shalt  }
0x81: {  	_ =	shalt  }
0x82: {  	_ =	shalt  }
0x83: {  	_ =	shalt  }
0x84: {  	_ =	shalt  }
0x85: {  	_ =	shalt  }
0x86: {  	_ =	shalt  }
0x87: {  	_ =	shalt  }
.Lfunc_end0:
.L_simem_size_0:
called_computation_lowered:
.L_overlay_start_0:
0x88: {  	s2 =	sld [smem:$0x3FD9]  }
0x89: {  	s3 =	sld [smem:$0x3FFE];
	_ =	sdelay $0x1  }
0x8a: {  	s1 =	srdreg.scid  }
0x8b: {  	s0 =	sand.u32 $0x1, s1  }
0x8c: {  	s15 =	sshll.u32 s0, $0xA;
	s2 =	sadd.s32 s3, s2  }
0x8d: {  	s2 =	sadd.s32 s2, s15  }
0x8e: {  	[smem:$0x3FC7] =	sst s2  }
0x8f: {  	_ = 	snop  }
0x90: {  	s2 =	sld [smem:$0x3FD0];
	_ =	sdelay $0x2  }
0x91: {  	s4 =	simm.s32 $0xA;
	s5 =	simm.s32 $0x10;
	s16 =	sld [smem:$0x3FC9]  }
0x92: {  	[smem:s5], [sflag:s4] =	dma.local [hbm:s2], $0x1  }
0x93: {  	_ =	swait.eq [sflag:s4], $0x1  }
0x94: {  	[sflag:s4] =	ssyncset.done $0x0  }
0x95: {  	[sflag:s4] =	ssyncadd.s32 $0xFFFFFFFF  }
0x96: {  	s17 =	sld [smem:$0x10];
	(tm) =	ssettm $0x1  }
0x97: {  	s18 =	sld [smem:$0x3FFB];
	_ =	sdelay $0x3  }
0x98: {  	_ =	strace s18  }
0x99: {  	s4 =	sld [smem:$0x3FFC];
	_ =	sdelay $0x3  }
0x9a: {  	_ =	strace s4  }
0x9b: {  	s4 =	sld [smem:$0x3FFD];
	_ =	sdelay $0x3  }
0x9c: {  	_ =	strace s4  }
0x9d: {  	_ =	strace $0x8FFFFFFF  }
0x9e: {  	s19 =	sld [smem:$0x3FDB];
	_ =	sdelay $0x1  }
0x9f: {  	s20 =	simm.s32 $_scs_section_size  }
0xa0: {  	s6 =	simm.s32 $_size__tile_overlayer_lowered;
	s7 =	simm.s32 $_tile_overlayer_lowered  }
0xa1: {  	s23 =	simm.s32 $0x1BFF;
	s22 =	sshll.u32 s7, $0x1;
	s4 =	sadd.s32 s20, s19  }
0xa2: {  	s8 =	simm.s32 $0x0;
	s21 =	sshll.u32 s6, $0x1;
	s6 =	sadd.s32 s22, s4  }
0xa3: {  	[timem:s8], [sflag:s23] =	dma.local [hbm:s6], s21  }
0xa4: {  	_ =	swait.ge [sflag:s23], s21  }
0xa5: {  	s5 =	ssub.s32 $0x0, s21;
	[sflag:s23] =	ssyncset.done $0x0  }
0xa6: {  	[sflag:s23] =	ssyncadd.s32 s5;
	_ =	sdelay $0x1  }
0xa7: {  	s24 =	simm.s32 $0x1B8B  }
0xa8: {  	_ =	swait.ge [sflag:s24], $0x1  }
0xa9: {  	[sflag:s24] =	ssyncset.done $0x0  }
0xaa: {  	s25 =	simm.s32 $0x1B8E;
	[sflag:s24] =	ssyncadd.s32 $0xFFFFFFFF  }
0xab: {  	s26 =	simm.s32 $execute0_lowered;
	[smem:$0x3FD2] =	sst s25  }
0xac: {  	s5 =	sshll.u32 s26, $0x1;
	_ =	strace $0x80000046;
	[dreg:$0x1] =	wrdreg $0xFFFFFFFF  }
0xad: {  	s28 =	simm.s32 $_size_execute0_lowered;
	s4 =	sadd.s32 s4, s5;
	[dreg:$0x0] =	wrdreg $0x0  }
0xae: {  	s5 =	sshll.u32 s28, $0x1;
	[dreg:$0x2] =	wrdreg s4  }
0xaf: {  	[dreg:$0x3] =	wrdreg s5  }
0xb0: {  	[dreg:$0x4] =	wrdreg $0xC0  }
0xb1: {  	_ =	task [dreg:s8], $0x5FFFF  }
0xb2: {  	[dreg:$0x1] =	wrdreg $0xFFFFFFFF  }
0xb3: {  	[dreg:$0x0] =	wrdreg $0x60  }
0xb4: {  	[dreg:$0x2] =	wrdreg s16  }
0xb5: {  	[dreg:$0x3] =	wrdreg s17  }
0xb6: {  	[dreg:$0x4] =	wrdreg $0x9  }
0xb7: {  	_ =	task.clear_ibuf [dreg:s8], $0x5FFFF;
	_ =	strace $0x90000046  }
0xb8: {  	s29 =	simm.s32 $0x9;
	_ =	strace $0x80000048  }
0xb9: {  	_ =	swait.ge [sflag:s29], $0x1  }
0xba: {  	[sflag:s29] =	ssyncadd.s32 $0xFFFFFFFF  }
0xbb: {  	_ =	strace $0x90000048  }
0xbc: {  	_ =	sfence  }
0xbd: {  	s30 =	sld [smem:$0x0];
	_ =	sdelay $0x2  }
0xbe: {  	s31 =	sshll.u32 s1, $0xD;
	s1 =	sshrl.u32 s1, $0x2  }
0xbf: {  	s3 =	sand.u32 $0x4000, s31;
	s1 =	sadd.s32 s1, s30  }
0xc0: {  	s0 =	sor.u32 s3, s0;
	s1 =	sshll.u32 s1, $0x11  }
0xc1: {  	s0 =	sor.u32 s1, s0  }
0xc2: {  	s0 =	sadd.s32 $0x8F2B, s0  }
0xc3: {  	[sflag:s0] =	ssyncadd.remote.s32 $0x1  }
0xc4: {  	_ =	sfence.sel $0xFFFF  }
0xc5: {  	[dreg:$0x0] =	wrdreg $0xFFFFFFFF;
	(pc) =	sbr.abs _section_cstart, $3  }
0xc6: {  	[dreg:$0x1] =	wrdreg $0xFFFFFFFF  }
0xc7: {  	_ =	task.clear_ibuf [dreg:s8], $0x2FFFF;
	_ =	strace $0x9FFFFFFF  }
0xc8: {  	(tm) =	ssettm $0x7FFFFFFF  }
0xc9: {  	_ =	shalt  }
tec
execute0_lowered:
.L_overlay_start_1:
0x0: {  	(tag) =	ssettag $0x1  }
0x1: {  	s3 =	rddreg [dreg:$0x0]  }
0x2: {  	s4 =	rddreg [dreg:$0x1];
	s2 =	srdreg.scid  }
0x3: {  	s0 =	rddreg [dreg:$0x2];
	s1 =	stileid.u32;
	s8 =	simm.s32 $0x4000  }
0x4: {  	s9 =	simm.s32 $0x1;
	s10 =	simm.s32 $0x0;
	s5 =	sand.u32 $0x1, s2  }
0x5: {  	s2 =	simm.s32 $0x0;
	s6 =	sshll.u32 s1, $0xF;
	s7 =	sshll.u32 s5, $0xE  }
0x6: {  	[smem:$0x7FF] =	sst s2;
	s5 =	ssub.s32 $0x2, s5;
	s6 =	sor.u32 s7, s6  }
0x7: {  	_ =	strace $0x80000047;
	s31 =	sshrl.u32 s5, $0x1;
	s6 =	sshrl.u32 s6, $0x3  }
0x8: {  	vm0 =	vcmask $0x2F24;
	vm1 =	vcmask $0x1700;
	s7 =	ssub.s32 s5, s31;
	s3 =	sadd.s32 s3, s6;
	s4 =	sadd.s32 s6, s4  }
0x9: {  	vm0 =	vmor vm1, vm0;
	s6 =	smax.u32 s7, $0x1;
	s7 =	simm.s32 $0x2;
	s5 =	sadd.s32 $0x310000, s4  }
.LBB2_1:
0xa: {  	[tilespmem:s2], [sflag:$0x2] =	stream.linear.gather [hbm4b:s3+s2], $0x4000, $0x38;
	[tilespmem:$0x8000] =	vst v63  }
0xb: {  	_ =	swait.ge [sflag:s7], $0x4000  }
0xc: {  	[sflag:s7] =	ssyncset.done $0x0  }
0xd: {  	s12 =	simm.s32 $0x100;
	[sflag:s7] =	ssyncadd.s32 $0xFFFFC000  }
0xe: {  	[hbm4b:s5+s2] =	stream.linear.scatter [tilespmem:s2], [sflag:$0x1], $0x4000, $0x38;
	[tilespmem:$0x8000] =	vst v63  }
0xf: {  	v0 =	vld [tilespmem:s12+$0xFFFFFF00];
	_ =	sdelay $0x4  }
0x10: {  	s11 =	simm.s32 $0x4100;
	v0 =	vsel vm0, $0x0, v0  }
0x11: {  	[tilespmem:s11+$0xFFFFFF00] =	vst v0  }
0x12: {  	v0 =	vld [tilespmem:s12+$0xFFFFFF10];
	_ =	sdelay $0x4  }
0x13: {  	[tilespmem:s11+$0xFFFFFF10] =	vst v0  }
0x14: {  	v0 =	vld [tilespmem:s12+$0xFFFFFF20];
	_ =	sdelay $0x4  }
0x15: {  	[tilespmem:s11+$0xFFFFFF20] =	vst v0  }
0x16: {  	v0 =	vld [tilespmem:s12+$0xFFFFFF30];
	_ =	sdelay $0x4  }
0x17: {  	[tilespmem:s11+$0xFFFFFF30] =	vst v0  }
0x18: {  	v0 =	vld [tilespmem:s12+$0xFFFFFF40];
	_ =	sdelay $0x4  }
0x19: {  	[tilespmem:s11+$0xFFFFFF40] =	vst v0  }
0x1a: {  	v0 =	vld [tilespmem:s12+$0xFFFFFF50];
	_ =	sdelay $0x4  }
0x1b: {  	[tilespmem:s11+$0xFFFFFF50] =	vst v0  }
0x1c: {  	v0 =	vld [tilespmem:s12+$0xFFFFFF60];
	_ =	sdelay $0x4  }
0x1d: {  	[tilespmem:s11+$0xFFFFFF60] =	vst v0  }
0x1e: {  	v0 =	vld [tilespmem:s12+$0xFFFFFF70];
	_ =	sdelay $0x4  }
0x1f: {  	[tilespmem:s11+$0xFFFFFF70] =	vst v0  }
0x20: {  	v0 =	vld [tilespmem:s12+$0xFFFFFF80];
	_ =	sdelay $0x4  }
0x21: {  	v0 =	vsel vm0, $0x0, v0  }
0x22: {  	[tilespmem:s11+$0xFFFFFF80] =	vst v0  }
0x23: {  	v0 =	vld [tilespmem:s12+$0xFFFFFF90];
	_ =	sdelay $0x4  }
0x24: {  	[tilespmem:s11+$0xFFFFFF90] =	vst v0  }
0x25: {  	v0 =	vld [tilespmem:s12+$0xFFFFFFA0];
	_ =	sdelay $0x4  }
0x26: {  	[tilespmem:s11+$0xFFFFFFA0] =	vst v0  }
0x27: {  	v0 =	vld [tilespmem:s12+$0xFFFFFFB0];
	_ =	sdelay $0x4  }
0x28: {  	[tilespmem:s11+$0xFFFFFFB0] =	vst v0  }
0x29: {  	v0 =	vld [tilespmem:s12+$0xFFFFFFC0];
	_ =	sdelay $0x4  }
0x2a: {  	[tilespmem:s11+$0xFFFFFFC0] =	vst v0  }
0x2b: {  	v0 =	vld [tilespmem:s12+$0xFFFFFFD0];
	_ =	sdelay $0x4  }
0x2c: {  	[tilespmem:s11+$0xFFFFFFD0] =	vst v0  }
0x2d: {  	v0 =	vld [tilespmem:s12+$0xFFFFFFE0];
	_ =	sdelay $0x4  }
0x2e: {  	[tilespmem:s11+$0xFFFFFFE0] =	vst v0  }
0x2f: {  	v0 =	vld [tilespmem:s12+$0xFFFFFFF0];
	_ =	sdelay $0x4  }
0x30: {  	[tilespmem:s11+$0xFFFFFFF0] =	vst v0  }
0x31: {  	v0 =	vld [tilespmem:s12+$0x0];
	_ =	sdelay $0x4  }
0x32: {  	v0 =	vsel vm0, $0x0, v0  }
0x33: {  	[tilespmem:s11+$0x0] =	vst v0  }
0x34: {  	v0 =	vld [tilespmem:s12+$0x10];
	_ =	sdelay $0x4  }
0x35: {  	[tilespmem:s11+$0x10] =	vst v0  }
0x36: {  	v0 =	vld [tilespmem:s12+$0x20];
	_ =	sdelay $0x4  }
0x37: {  	[tilespmem:s11+$0x20] =	vst v0  }
0x38: {  	v0 =	vld [tilespmem:s12+$0x30];
	_ =	sdelay $0x4  }
0x39: {  	[tilespmem:s11+$0x30] =	vst v0  }
0x3a: {  	v0 =	vld [tilespmem:s12+$0x40];
	_ =	sdelay $0x4  }
0x3b: {  	[tilespmem:s11+$0x40] =	vst v0  }
0x3c: {  	v0 =	vld [tilespmem:s12+$0x50];
	_ =	sdelay $0x4  }
0x3d: {  	[tilespmem:s11+$0x50] =	vst v0  }
0x3e: {  	v0 =	vld [tilespmem:s12+$0x60];
	_ =	sdelay $0x4  }
0x3f: {  	[tilespmem:s11+$0x60] =	vst v0  }
0x40: {  	v0 =	vld [tilespmem:s12+$0x70];
	_ =	sdelay $0x4  }
0x41: {  	[tilespmem:s11+$0x70] =	vst v0  }
0x42: {  	v0 =	vld [tilespmem:s12+$0x80];
	_ =	sdelay $0x4  }
0x43: {  	v0 =	vsel vm0, $0x0, v0  }
0x44: {  	[tilespmem:s11+$0x80] =	vst v0  }
0x45: {  	v0 =	vld [tilespmem:s12+$0x90];
	_ =	sdelay $0x4  }
0x46: {  	[tilespmem:s11+$0x90] =	vst v0  }
0x47: {  	v0 =	vld [tilespmem:s12+$0xA0];
	_ =	sdelay $0x4  }
0x48: {  	[tilespmem:s11+$0xA0] =	vst v0  }
0x49: {  	v0 =	vld [tilespmem:s12+$0xB0];
	_ =	sdelay $0x4  }
0x4a: {  	[tilespmem:s11+$0xB0] =	vst v0  }
0x4b: {  	v0 =	vld [tilespmem:s12+$0xC0];
	_ =	sdelay $0x4  }
0x4c: {  	[tilespmem:s11+$0xC0] =	vst v0  }
0x4d: {  	v0 =	vld [tilespmem:s12+$0xD0];
	_ =	sdelay $0x4  }
0x4e: {  	[tilespmem:s11+$0xD0] =	vst v0  }
0x4f: {  	v0 =	vld [tilespmem:s12+$0xE0];
	_ =	sdelay $0x4  }
0x50: {  	[tilespmem:s11+$0xE0] =	vst v0  }
0x51: {  	v0 =	vld [tilespmem:s12+$0xF0];
	_ =	sdelay $0x4  }
0x52: {  	s13 =	simm.s32 $0x300;
	s12 =	simm.s32 $0x0;
	[tilespmem:s11+$0xF0] =	vst v0  }
.LBB2_2:
0x53: {  	v0 =	vld [tilespmem:s13+$0xFFFFFF00];
	s12 =	sadd.s32 $0x4, s12  }
0x54: {  	p0 =	slt.u32 s12, $0x7C;
	_ =	sdelay $0x3  }
0x55: {  	s11 =	sadd.s32 $0x200, s11;
	v0 =	vsel vm0, $0x0, v0  }
0x56: {  	[tilespmem:s11+$0xFFFFFF00] =	vst v0  }
0x57: {  	v0 =	vld [tilespmem:s13+$0xFFFFFF10];
	_ =	sdelay $0x4  }
0x58: {  	[tilespmem:s11+$0xFFFFFF10] =	vst v0  }
0x59: {  	v0 =	vld [tilespmem:s13+$0xFFFFFF20];
	_ =	sdelay $0x4  }
0x5a: {  	[tilespmem:s11+$0xFFFFFF20] =	vst v0  }
0x5b: {  	v0 =	vld [tilespmem:s13+$0xFFFFFF30];
	_ =	sdelay $0x4  }
0x5c: {  	[tilespmem:s11+$0xFFFFFF30] =	vst v0  }
0x5d: {  	v0 =	vld [tilespmem:s13+$0xFFFFFF40];
	_ =	sdelay $0x4  }
0x5e: {  	[tilespmem:s11+$0xFFFFFF40] =	vst v0  }
0x5f: {  	v0 =	vld [tilespmem:s13+$0xFFFFFF50];
	_ =	sdelay $0x4  }
0x60: {  	[tilespmem:s11+$0xFFFFFF50] =	vst v0  }
0x61: {  	v0 =	vld [tilespmem:s13+$0xFFFFFF60];
	_ =	sdelay $0x4  }
0x62: {  	[tilespmem:s11+$0xFFFFFF60] =	vst v0  }
0x63: {  	v0 =	vld [tilespmem:s13+$0xFFFFFF70];
	_ =	sdelay $0x4  }
0x64: {  	[tilespmem:s11+$0xFFFFFF70] =	vst v0  }
0x65: {  	v0 =	vld [tilespmem:s13+$0xFFFFFF80];
	_ =	sdelay $0x4  }
0x66: {  	v0 =	vsel vm0, $0x0, v0  }
0x67: {  	[tilespmem:s11+$0xFFFFFF80] =	vst v0  }
0x68: {  	v0 =	vld [tilespmem:s13+$0xFFFFFF90];
	_ =	sdelay $0x4  }
0x69: {  	[tilespmem:s11+$0xFFFFFF90] =	vst v0  }
0x6a: {  	v0 =	vld [tilespmem:s13+$0xFFFFFFA0];
	_ =	sdelay $0x4  }
0x6b: {  	[tilespmem:s11+$0xFFFFFFA0] =	vst v0  }
0x6c: {  	v0 =	vld [tilespmem:s13+$0xFFFFFFB0];
	_ =	sdelay $0x4  }
0x6d: {  	[tilespmem:s11+$0xFFFFFFB0] =	vst v0  }
0x6e: {  	v0 =	vld [tilespmem:s13+$0xFFFFFFC0];
	_ =	sdelay $0x4  }
0x6f: {  	[tilespmem:s11+$0xFFFFFFC0] =	vst v0  }
0x70: {  	v0 =	vld [tilespmem:s13+$0xFFFFFFD0];
	_ =	sdelay $0x4  }
0x71: {  	[tilespmem:s11+$0xFFFFFFD0] =	vst v0  }
0x72: {  	v0 =	vld [tilespmem:s13+$0xFFFFFFE0];
	_ =	sdelay $0x4  }
0x73: {  	[tilespmem:s11+$0xFFFFFFE0] =	vst v0  }
0x74: {  	v0 =	vld [tilespmem:s13+$0xFFFFFFF0];
	_ =	sdelay $0x4  }
0x75: {  	[tilespmem:s11+$0xFFFFFFF0] =	vst v0  }
0x76: {  	v0 =	vld [tilespmem:s13+$0x0];
	_ =	sdelay $0x4  }
0x77: {  	v0 =	vsel vm0, $0x0, v0  }
0x78: {  	[tilespmem:s11+$0x0] =	vst v0  }
0x79: {  	v0 =	vld [tilespmem:s13+$0x10];
	_ =	sdelay $0x4  }
0x7a: {  	[tilespmem:s11+$0x10] =	vst v0  }
0x7b: {  	v0 =	vld [tilespmem:s13+$0x20];
	_ =	sdelay $0x4  }
0x7c: {  	[tilespmem:s11+$0x20] =	vst v0  }
0x7d: {  	v0 =	vld [tilespmem:s13+$0x30];
	_ =	sdelay $0x4  }
0x7e: {  	[tilespmem:s11+$0x30] =	vst v0  }
0x7f: {  	v0 =	vld [tilespmem:s13+$0x40];
	_ =	sdelay $0x4  }
0x80: {  	[tilespmem:s11+$0x40] =	vst v0  }
0x81: {  	v0 =	vld [tilespmem:s13+$0x50];
	_ =	sdelay $0x4  }
0x82: {  	[tilespmem:s11+$0x50] =	vst v0  }
0x83: {  	v0 =	vld [tilespmem:s13+$0x60];
	_ =	sdelay $0x4  }
0x84: {  	[tilespmem:s11+$0x60] =	vst v0  }
0x85: {  	v0 =	vld [tilespmem:s13+$0x70];
	_ =	sdelay $0x4  }
0x86: {  	[tilespmem:s11+$0x70] =	vst v0  }
0x87: {  	v0 =	vld [tilespmem:s13+$0x80];
	_ =	sdelay $0x4  }
0x88: {  	v0 =	vsel vm0, $0x0, v0  }
0x89: {  	[tilespmem:s11+$0x80] =	vst v0  }
0x8a: {  	v0 =	vld [tilespmem:s13+$0x90];
	_ =	sdelay $0x4  }
0x8b: {  	[tilespmem:s11+$0x90] =	vst v0  }
0x8c: {  	v0 =	vld [tilespmem:s13+$0xA0];
	_ =	sdelay $0x4  }
0x8d: {  	[tilespmem:s11+$0xA0] =	vst v0  }
0x8e: {  	v0 =	vld [tilespmem:s13+$0xB0];
	_ =	sdelay $0x4  }
0x8f: {  	[tilespmem:s11+$0xB0] =	vst v0  }
0x90: {  	v0 =	vld [tilespmem:s13+$0xC0];
	_ =	sdelay $0x4  }
0x91: {  	[tilespmem:s11+$0xC0] =	vst v0  }
0x92: {  	v0 =	vld [tilespmem:s13+$0xD0];
	_ =	sdelay $0x4  }
0x93: {  	[tilespmem:s11+$0xD0] =	vst v0  }
0x94: {  	v0 =	vld [tilespmem:s13+$0xE0];
	_ =	sdelay $0x4  }
0x95: {  	[tilespmem:s11+$0xE0] =	vst v0  }
0x96: {  	v0 =	vld [tilespmem:s13+$0xF0]  }
.Ltmp0:
0x97: {  	(pc) =	sbr.rel @p0 .LBB2_2-.Ltmp0, $2  }
0x98: {  	_ =	sdelay $0x2  }
0x99: {  	s14 =	simm.s32 $0x0;
	s13 =	sadd.s32 $0x200, s13;
	[tilespmem:s11+$0xF0] =	vst v0  }
.LBB2_3:
0x9a: {  	p0 =	sne.s32 s14, $0x300000  }
.Ltmp1:
0x9b: {  	_ = 	snop;
	(pc) =	sbr.rel @p0 .LBB2_3-.Ltmp1, $3  }
0x9c: {  	_ =	sdelay $0x1  }
0x9d: {  	s11 =	sadd.s32 s14, s4;
	s14 =	sadd.s32 $0x10000, s14  }
0x9e: {  	[hbm4b:s11+s2] =	stream.linear.scatter [tilespmem:s8], [sflag:$0x1], $0x4000, $0x38;
	[tilespmem:$0x8000] =	vst v63  }
0x9f: {  	_ =	swait.ge [sflag:s9], $0x4000  }
0xa0: {  	s11 =	simm.s32 $0x31;
	[sflag:s9] =	ssyncset.done $0x0  }
.LBB2_5:
0xa1: {  	p0 =	sne.s32 s11, $0x1;
	s11 =	sadd.s32 $0xFFFFFFFF, s11;
	[sflag:s9] =	ssyncadd.s32 $0xFFFFC000  }
.Ltmp2:
0xa2: {  	(pc) =	sbr.rel @p0 .LBB2_5-.Ltmp2, $3  }
0xa3: {  	_ =	sdelay $0x1  }
0xa4: {  	_ =	swait.ge [sflag:s9], $0x4000  }
0xa5: {  	[sflag:s9] =	ssyncset.done $0x0  }
0xa6: {  	s10 =	sadd.s32 $0x1, s10  }
0xa7: {  	p0 =	sne.s32 s10, s6  }
.Ltmp3:
0xa8: {  	_ = 	snop;
	(pc) =	sbr.rel @p0 .LBB2_1-.Ltmp3, $2  }
0xa9: {  	_ =	sdelay $0x2  }
0xaa: {  	[sflag:s9] =	ssyncadd.s32 $0xFFFFC000  }
0xab: {  	_ =	sfence.sel $0x180000  }
0xac: {  	[bflag:$0x0] =	sbarrier.arrive $0xFFFF  }
0xad: {  	p0 =	sne.s32 s1, $0x0;
	_ =	strace $0x90000047  }
0xae: {  	s0 =	sadd.s32 @!p0 $0x100000, s0;
	[bflag:$0x2] =	sbarrier.arrive $0xFFFF  }
0xaf: {  	[sflag:s0] =	ssyncadd.tile.s32 @!p0 $0x1;
	_ =	shalt  }
.Lfunc_end2:
_tile_overlayer_lowered:
.L_overlay_start_2:
0xb0: {  	(tag) =	ssettag $0x2  }
0xb1: {  	s0 =	rddreg [dreg:$0x0];
	s2 =	stileid.u32  }
0xb2: {  	s1 =	rddreg [dreg:$0x1];
	p0 =	sne.s32 s2, $0x0  }
0xb3: {  	s3 =	rddreg [dreg:$0x2];
	[bflag:$0x3] =	sbarrier.arrive $0xFFFF;
	s2 =	simm.s32 @!p0 $0x1C02  }
0xb4: {  	[timem:s3], [sflag:s2] =	dma.local @!p0 [hbm:s0], s1  }
0xb5: {  	s0 =	simm.s32 @!p0 $0x2  }
0xb6: {  	_ =	swait.ge @!p0 [sflag:s0], s1  }
0xb7: {  	s1 =	ssub.s32 @!p0 $0x0, s1;
	[sflag:s0] =	ssyncset.done @!p0 $0x0  }
0xb8: {  	[sflag:s0] =	ssyncadd.s32 @!p0 s1  }
0xb9: {  	[bflag:$0x3] =	sbarrier.arrive $0xFFFF  }
0xba: {  	_ =	shalt  }

</sc_bundles>
